<compile_context>
chip_gen: v7x
topology: tpu7x:2x2x1
jax: 0.10.2.dev20260603
libtpu: 0.0.44.dev20260713+nightly
codegen_flags: <defaults>
</compile_context>

<pallas_src>
import functools

import jax
import jax.numpy as jnp
from jax.experimental import pallas as pl
from jax.experimental.pallas import tpu as pltpu
from jax.experimental.pallas import tpu_sc as plsc

_EMBED_DIM = 64
_NUM_CODES = 1024
_B = 16
_S = 576
_N_TOK = _B * _S
_TILE = _N_TOK // 2
_HROWS = _TILE // 128

_NC = 2
_NS = 16
_NW = _NC * _NS


def _idx_body(z_ref, w_ref, idx0_ref, idx1_ref, wn_ref):
    @pl.when(pl.program_id(0) == 0)
    def _init():
        w = w_ref[...]
        wn_ref[...] = w / jnp.maximum(
            jnp.sqrt(jnp.sum(w * w, axis=1, keepdims=True)), 1e-12)

    zt = z_ref[...]
    zn = zt / jnp.maximum(
        jnp.sqrt(jnp.sum(zt * zt, axis=1, keepdims=True)), 1e-12)
    scores = jax.lax.dot_general(
        zn, wn_ref[...], (((1,), (1,)), ((), ())),
        preferred_element_type=jnp.float32)
    m = jnp.max(scores, axis=1, keepdims=True)
    ids = jax.lax.broadcasted_iota(
        jnp.int32, scores.shape, 1).astype(jnp.float32)
    idx = jnp.min(jnp.where(scores == m, ids, jnp.float32(4096.0)), axis=1)
    packed = idx.astype(jnp.int32).reshape(_HROWS, 128)
    i = pl.program_id(0)

    @pl.when(i == 0)
    def _w0():
        idx0_ref[...] = packed

    @pl.when(i == 1)
    def _w1():
        idx1_ref[...] = packed


def _gather_body(w_hbm, idx0_hbm, idx1_hbm, out_hbm, idx_v, rows_v, sems):
    wid = jax.lax.axis_index("s") * _NC + jax.lax.axis_index("c")

    def loads():
        pltpu.sync_copy(idx0_hbm.at[pl.ds(wid, 1), :], idx_v.at[pl.ds(0, 1)])

        @pl.when(wid < 4)
        def _a():
            pltpu.sync_copy(idx0_hbm.at[pl.ds(wid + 32, 1), :],
                            idx_v.at[pl.ds(1, 1)])

        @pl.when(wid >= 4)
        def _b():
            pltpu.sync_copy(idx1_hbm.at[pl.ds(wid - 4, 1), :],
                            idx_v.at[pl.ds(1, 1)])

        @pl.when(wid < 8)
        def _c():
            pltpu.sync_copy(idx1_hbm.at[pl.ds(wid + 28, 1), :],
                            idx_v.at[pl.ds(2, 1)])

    def fire(j):
        pltpu.async_copy(w_hbm.at[idx_v.at[j]], rows_v.at[j], sems[j])

    def drain(j, row):
        pltpu.make_async_copy(
            w_hbm.at[idx_v.at[j]], rows_v.at[j], sems[j]).wait()
        pltpu.sync_copy(rows_v.at[j], out_hbm.at[pl.ds(row * 128, 128)])

    loads()
    fire(0)
    fire(1)

    @pl.when(wid < 8)
    def _f2():
        fire(2)

    drain(0, wid)
    drain(1, wid + _NW)

    @pl.when(wid < 8)
    def _d2():
        drain(2, wid + 2 * _NW)


_sc_gather = pl.kernel(
    _gather_body,
    out_type=jax.ShapeDtypeStruct((_N_TOK, _EMBED_DIM), jnp.float32),
    mesh=plsc.VectorSubcoreMesh(
        core_axis_name="c", subcore_axis_name="s",
        num_cores=_NC, num_subcores=_NS),
    scratch_types=[
        pltpu.VMEM((3, 128), jnp.int32),
        pltpu.VMEM((3, 128, _EMBED_DIM), jnp.float32),
        [pltpu.SemaphoreType.DMA] * 3,
    ],
    compiler_params=pltpu.CompilerParams(use_tc_tiling_on_sc=False),
)


@jax.jit
def kernel(z, W):
    z2 = z.reshape(_N_TOK, _EMBED_DIM)
    idx0, idx1 = pl.pallas_call(
        _idx_body,
        grid=(2,),
        in_specs=[
            pl.BlockSpec((_TILE, _EMBED_DIM), lambda i: (i, 0)),
            pl.BlockSpec((_NUM_CODES, _EMBED_DIM), lambda i: (0, 0)),
        ],
        out_specs=[
            pl.BlockSpec((_HROWS, 128), lambda i: (0, 0)),
            pl.BlockSpec((_HROWS, 128), lambda i: (0, 0)),
        ],
        out_shape=[
            jax.ShapeDtypeStruct((_HROWS, 128), jnp.int32),
            jax.ShapeDtypeStruct((_HROWS, 128), jnp.int32),
        ],
        scratch_shapes=[pltpu.VMEM((_NUM_CODES, _EMBED_DIM), jnp.float32)],
    )(z2, W)
    return _sc_gather(W, idx0, idx1).reshape(_B, _S, _EMBED_DIM)

# --- scband reference (transcript-rebuilt; emitter-appended) ---
"""Pipeline reference for scband-vector-quantizer-34969623724288 (READ-ONLY COPY).

The authoritative reference and input builder live on the scoring server;
editing this copy changes nothing except your own understanding.
"""

import jax, jax.numpy as jnp
import numpy as np

NUM_EMBED = 16 * 64  # embed_channels * embed_dim
EMBED_DIM = 64

def _normalize(x, axis=1, eps=1e-12):
    n = jnp.linalg.norm(x, axis=axis, keepdims=True)
    return x / jnp.maximum(n, eps)

def setup_inputs(seed: int = 0) -> dict:
    key = jax.random.key(seed)
    k1, k2 = jax.random.split(key)
    z = jax.random.normal(k1, (16, 576, 64), dtype=jnp.float32)
    # embedding weight initialized uniform(-1/num_embed, 1/num_embed)
    W = jax.random.uniform(k2, (NUM_EMBED, EMBED_DIM), dtype=jnp.float32,
                           minval=-1.0 / NUM_EMBED, maxval=1.0 / NUM_EMBED)
    return {"z": z, "W": W}

def reference(z, W):
    # eval-mode forward of VectorQuantizer (training=False path):
    # cosine distance lookup + codebook gather; loss is None in eval.
    z_flattened = z.reshape(-1, EMBED_DIM)
    normed_z = jax.lax.stop_gradient(_normalize(z_flattened, axis=1))  # .detach()
    normed_codebook = _normalize(W, axis=1)
    d = jnp.einsum('bd,dn->bn', normed_z, normed_codebook.T)
    encoding_indices = jnp.argmax(d, axis=1)
    z_q = jnp.take(W, encoding_indices, axis=0).reshape(z.shape)
    return z_q

if __name__ == "__main__":
    import jax
    _d = setup_inputs()
    print(jax.jit(kernel)(*tuple(_d.values())))

</pallas_src>

<mosaic_0001>
#map = affine_map<(d0, d1) -> (0, 0)>
module attributes {stable_mosaic.version = 14 : i64} {
  func.func @_gather_body(%arg0: i32, %arg1: i32, %arg2: memref<1024x64xf32, #tpu.memory_space<hbm>>, %arg3: memref<36x128xi32, #tpu.memory_space<hbm>>, %arg4: memref<36x128xi32, #tpu.memory_space<hbm>>, %arg5: memref<9216x64xf32, #tpu.memory_space<hbm>>, %arg6: memref<3x128xi32, #tpu.memory_space<vmem>>, %arg7: memref<3x128x64xf32, #tpu.memory_space<vmem>>, %arg8: memref<!tpu.dma_semaphore, #tpu.memory_space<semaphore_mem>>, %arg9: memref<!tpu.dma_semaphore, #tpu.memory_space<semaphore_mem>>, %arg10: memref<!tpu.dma_semaphore, #tpu.memory_space<semaphore_mem>>) attributes {dimension_semantics = [#tpu.dimension_semantics<core_parallel>, #tpu.dimension_semantics<subcore_parallel>], iteration_bounds = array<i64: 2, 16>, scalar_prefetch = 0 : i64, scratch_operands = 5 : i64, tpu.core_type = #tpu.core_type<sc_vector_subcore>, window_params = [{transform_indices = #map}, {transform_indices = #map}, {transform_indices = #map}, {transform_indices = #map}]} {
    %mul3A = arith.constant 2 : i32
    %mul3A_0 = arith.muli %arg1, %mul3A : i32
    %add3A = arith.addi %mul3A_0, %arg0 : i32
    "tpu.region"() ({
      %run_scoped3A_75 = tpu.sem_alloc : memref<!tpu.dma_semaphore, #tpu.memory_space<semaphore_mem>>
      %dma_start3A_76 = arith.constant 0 : i32
      %dma_start3A_77 = arith.constant 0 : i32
      %dma_start3A_78 = tpu.memref_slice %arg6[%dma_start3A_76, %dma_start3A_77] : memref<3x128xi32, #tpu.memory_space<vmem>> -> memref<1x128xi32, #tpu.memory_space<vmem>>
      %dma_start3A_79 = arith.constant 0 : i32
      %dma_start3A_80 = tpu.memref_slice %arg3[%add3A, %dma_start3A_79] : memref<36x128xi32, #tpu.memory_space<hbm>> -> memref<1x128xi32, #tpu.memory_space<hbm>>
      %dma_start3A_81 = arith.constant 0 : i32
      %dma_start3A_82 = arith.constant 0 : i32
      %dma_start3A_83 = tpu.memref_slice %arg6[%dma_start3A_81, %dma_start3A_82] : memref<3x128xi32, #tpu.memory_space<vmem>> -> memref<1x128xi32, #tpu.memory_space<vmem>>
      %dma_start3A_84 = arith.constant 0 : i32
      %dma_start3A_85 = tpu.memref_slice %arg3[%add3A, %dma_start3A_84] : memref<36x128xi32, #tpu.memory_space<hbm>> -> memref<1x128xi32, #tpu.memory_space<hbm>>
      tpu.enqueue_dma source(%dma_start3A_85 : memref<1x128xi32, #tpu.memory_space<hbm>>) target(%dma_start3A_83 : memref<1x128xi32, #tpu.memory_space<vmem>>) target_semaphore(%run_scoped3A_75 : memref<!tpu.dma_semaphore, #tpu.memory_space<semaphore_mem>>)
      %dma_wait3A_86 = arith.constant 0 : i32
      %dma_wait3A_87 = arith.constant 0 : i32
      %dma_wait3A_88 = tpu.memref_slice %arg6[%dma_wait3A_86, %dma_wait3A_87] : memref<3x128xi32, #tpu.memory_space<vmem>> -> memref<1x128xi32, #tpu.memory_space<vmem>>
      %dma_wait3A_89 = arith.constant 0 : i32
      %dma_wait3A_90 = tpu.memref_slice %arg3[%add3A, %dma_wait3A_89] : memref<36x128xi32, #tpu.memory_space<hbm>> -> memref<1x128xi32, #tpu.memory_space<hbm>>
      %dma_wait3A_91 = arith.constant 0 : i32
      %dma_wait3A_92 = arith.constant 0 : i32
      %dma_wait3A_93 = tpu.memref_slice %arg6[%dma_wait3A_91, %dma_wait3A_92] : memref<3x128xi32, #tpu.memory_space<vmem>> -> memref<1x128xi32, #tpu.memory_space<vmem>>
      %dma_wait3A_94 = arith.constant 0 : i32
      %dma_wait3A_95 = tpu.memref_slice %arg3[%add3A, %dma_wait3A_94] : memref<36x128xi32, #tpu.memory_space<hbm>> -> memref<1x128xi32, #tpu.memory_space<hbm>>
      tpu.wait_dma2 semaphore(%run_scoped3A_75 : memref<!tpu.dma_semaphore, #tpu.memory_space<semaphore_mem>>) src(%dma_wait3A_95 : memref<1x128xi32, #tpu.memory_space<hbm>>) dst(%dma_wait3A_93 : memref<1x128xi32, #tpu.memory_space<vmem>>)
      tpu.yield
    }) : () -> ()
    %lt3A = arith.constant 4 : i32
    %lt3A_1 = arith.cmpi slt, %add3A, %lt3A : i32
    %convert_element_type3A = arith.extui %lt3A_1 : i1 to i32
    %cond3A = arith.constant 0 : i32
    %cond3A_2 = arith.cmpi ne, %convert_element_type3A, %cond3A : i32
    scf.if %cond3A_2 {
      %add3A_75 = arith.constant 32 : i32
      %add3A_76 = arith.addi %add3A, %add3A_75 : i32
      "tpu.region"() ({
        %run_scoped3A_77 = tpu.sem_alloc : memref<!tpu.dma_semaphore, #tpu.memory_space<semaphore_mem>>
        %dma_start3A_78 = arith.constant 1 : i32
        %dma_start3A_79 = arith.constant 0 : i32
        %dma_start3A_80 = tpu.memref_slice %arg6[%dma_start3A_78, %dma_start3A_79] : memref<3x128xi32, #tpu.memory_space<vmem>> -> memref<1x128xi32, #tpu.memory_space<vmem>>
        %dma_start3A_81 = arith.constant 0 : i32
        %dma_start3A_82 = tpu.memref_slice %arg3[%add3A_76, %dma_start3A_81] : memref<36x128xi32, #tpu.memory_space<hbm>> -> memref<1x128xi32, #tpu.memory_space<hbm>>
        %dma_start3A_83 = arith.constant 1 : i32
        %dma_start3A_84 = arith.constant 0 : i32
        %dma_start3A_85 = tpu.memref_slice %arg6[%dma_start3A_83, %dma_start3A_84] : memref<3x128xi32, #tpu.memory_space<vmem>> -> memref<1x128xi32, #tpu.memory_space<vmem>>
        %dma_start3A_86 = arith.constant 0 : i32
        %dma_start3A_87 = tpu.memref_slice %arg3[%add3A_76, %dma_start3A_86] : memref<36x128xi32, #tpu.memory_space<hbm>> -> memref<1x128xi32, #tpu.memory_space<hbm>>
        tpu.enqueue_dma source(%dma_start3A_87 : memref<1x128xi32, #tpu.memory_space<hbm>>) target(%dma_start3A_85 : memref<1x128xi32, #tpu.memory_space<vmem>>) target_semaphore(%run_scoped3A_77 : memref<!tpu.dma_semaphore, #tpu.memory_space<semaphore_mem>>)
        %dma_wait3A_88 = arith.constant 1 : i32
        %dma_wait3A_89 = arith.constant 0 : i32
        %dma_wait3A_90 = tpu.memref_slice %arg6[%dma_wait3A_88, %dma_wait3A_89] : memref<3x128xi32, #tpu.memory_space<vmem>> -> memref<1x128xi32, #tpu.memory_space<vmem>>
        %dma_wait3A_91 = arith.constant 0 : i32
        %dma_wait3A_92 = tpu.memref_slice %arg3[%add3A_76, %dma_wait3A_91] : memref<36x128xi32, #tpu.memory_space<hbm>> -> memref<1x128xi32, #tpu.memory_space<hbm>>
        %dma_wait3A_93 = arith.constant 1 : i32
        %dma_wait3A_94 = arith.constant 0 : i32
        %dma_wait3A_95 = tpu.memref_slice %arg6[%dma_wait3A_93, %dma_wait3A_94] : memref<3x128xi32, #tpu.memory_space<vmem>> -> memref<1x128xi32, #tpu.memory_space<vmem>>
        %dma_wait3A_96 = arith.constant 0 : i32
        %dma_wait3A_97 = tpu.memref_slice %arg3[%add3A_76, %dma_wait3A_96] : memref<36x128xi32, #tpu.memory_space<hbm>> -> memref<1x128xi32, #tpu.memory_space<hbm>>
        tpu.wait_dma2 semaphore(%run_scoped3A_77 : memref<!tpu.dma_semaphore, #tpu.memory_space<semaphore_mem>>) src(%dma_wait3A_97 : memref<1x128xi32, #tpu.memory_space<hbm>>) dst(%dma_wait3A_95 : memref<1x128xi32, #tpu.memory_space<vmem>>)
        tpu.yield
      }) : () -> ()
    } else {
    }
    %ge3A = arith.constant 4 : i32
    %ge3A_3 = arith.cmpi sge, %add3A, %ge3A : i32
    %convert_element_type3A_4 = arith.extui %ge3A_3 : i1 to i32
    %cond3A_5 = arith.constant 0 : i32
    %cond3A_6 = arith.cmpi ne, %convert_element_type3A_4, %cond3A_5 : i32
    scf.if %cond3A_6 {
      %sub3A = arith.constant 4 : i32
      %sub3A_75 = arith.subi %add3A, %sub3A : i32
      "tpu.region"() ({
        %run_scoped3A_76 = tpu.sem_alloc : memref<!tpu.dma_semaphore, #tpu.memory_space<semaphore_mem>>
        %dma_start3A_77 = arith.constant 1 : i32
        %dma_start3A_78 = arith.constant 0 : i32
        %dma_start3A_79 = tpu.memref_slice %arg6[%dma_start3A_77, %dma_start3A_78] : memref<3x128xi32, #tpu.memory_space<vmem>> -> memref<1x128xi32, #tpu.memory_space<vmem>>
        %dma_start3A_80 = arith.constant 0 : i32
        %dma_start3A_81 = tpu.memref_slice %arg4[%sub3A_75, %dma_start3A_80] : memref<36x128xi32, #tpu.memory_space<hbm>> -> memref<1x128xi32, #tpu.memory_space<hbm>>
        %dma_start3A_82 = arith.constant 1 : i32
        %dma_start3A_83 = arith.constant 0 : i32
        %dma_start3A_84 = tpu.memref_slice %arg6[%dma_start3A_82, %dma_start3A_83] : memref<3x128xi32, #tpu.memory_space<vmem>> -> memref<1x128xi32, #tpu.memory_space<vmem>>
        %dma_start3A_85 = arith.constant 0 : i32
        %dma_start3A_86 = tpu.memref_slice %arg4[%sub3A_75, %dma_start3A_85] : memref<36x128xi32, #tpu.memory_space<hbm>> -> memref<1x128xi32, #tpu.memory_space<hbm>>
        tpu.enqueue_dma source(%dma_start3A_86 : memref<1x128xi32, #tpu.memory_space<hbm>>) target(%dma_start3A_84 : memref<1x128xi32, #tpu.memory_space<vmem>>) target_semaphore(%run_scoped3A_76 : memref<!tpu.dma_semaphore, #tpu.memory_space<semaphore_mem>>)
        %dma_wait3A_87 = arith.constant 1 : i32
        %dma_wait3A_88 = arith.constant 0 : i32
        %dma_wait3A_89 = tpu.memref_slice %arg6[%dma_wait3A_87, %dma_wait3A_88] : memref<3x128xi32, #tpu.memory_space<vmem>> -> memref<1x128xi32, #tpu.memory_space<vmem>>
        %dma_wait3A_90 = arith.constant 0 : i32
        %dma_wait3A_91 = tpu.memref_slice %arg4[%sub3A_75, %dma_wait3A_90] : memref<36x128xi32, #tpu.memory_space<hbm>> -> memref<1x128xi32, #tpu.memory_space<hbm>>
        %dma_wait3A_92 = arith.constant 1 : i32
        %dma_wait3A_93 = arith.constant 0 : i32
        %dma_wait3A_94 = tpu.memref_slice %arg6[%dma_wait3A_92, %dma_wait3A_93] : memref<3x128xi32, #tpu.memory_space<vmem>> -> memref<1x128xi32, #tpu.memory_space<vmem>>
        %dma_wait3A_95 = arith.constant 0 : i32
        %dma_wait3A_96 = tpu.memref_slice %arg4[%sub3A_75, %dma_wait3A_95] : memref<36x128xi32, #tpu.memory_space<hbm>> -> memref<1x128xi32, #tpu.memory_space<hbm>>
        tpu.wait_dma2 semaphore(%run_scoped3A_76 : memref<!tpu.dma_semaphore, #tpu.memory_space<semaphore_mem>>) src(%dma_wait3A_96 : memref<1x128xi32, #tpu.memory_space<hbm>>) dst(%dma_wait3A_94 : memref<1x128xi32, #tpu.memory_space<vmem>>)
        tpu.yield
      }) : () -> ()
    } else {
    }
    %lt3A_7 = arith.constant 8 : i32
    %lt3A_8 = arith.cmpi slt, %add3A, %lt3A_7 : i32
    %convert_element_type3A_9 = arith.extui %lt3A_8 : i1 to i32
    %cond3A_10 = arith.constant 0 : i32
    %cond3A_11 = arith.cmpi ne, %convert_element_type3A_9, %cond3A_10 : i32
    scf.if %cond3A_11 {
      %add3A_75 = arith.constant 28 : i32
      %add3A_76 = arith.addi %add3A, %add3A_75 : i32
      "tpu.region"() ({
        %run_scoped3A_77 = tpu.sem_alloc : memref<!tpu.dma_semaphore, #tpu.memory_space<semaphore_mem>>
        %dma_start3A_78 = arith.constant 2 : i32
        %dma_start3A_79 = arith.constant 0 : i32
        %dma_start3A_80 = tpu.memref_slice %arg6[%dma_start3A_78, %dma_start3A_79] : memref<3x128xi32, #tpu.memory_space<vmem>> -> memref<1x128xi32, #tpu.memory_space<vmem>>
        %dma_start3A_81 = arith.constant 0 : i32
        %dma_start3A_82 = tpu.memref_slice %arg4[%add3A_76, %dma_start3A_81] : memref<36x128xi32, #tpu.memory_space<hbm>> -> memref<1x128xi32, #tpu.memory_space<hbm>>
        %dma_start3A_83 = arith.constant 2 : i32
        %dma_start3A_84 = arith.constant 0 : i32
        %dma_start3A_85 = tpu.memref_slice %arg6[%dma_start3A_83, %dma_start3A_84] : memref<3x128xi32, #tpu.memory_space<vmem>> -> memref<1x128xi32, #tpu.memory_space<vmem>>
        %dma_start3A_86 = arith.constant 0 : i32
        %dma_start3A_87 = tpu.memref_slice %arg4[%add3A_76, %dma_start3A_86] : memref<36x128xi32, #tpu.memory_space<hbm>> -> memref<1x128xi32, #tpu.memory_space<hbm>>
        tpu.enqueue_dma source(%dma_start3A_87 : memref<1x128xi32, #tpu.memory_space<hbm>>) target(%dma_start3A_85 : memref<1x128xi32, #tpu.memory_space<vmem>>) target_semaphore(%run_scoped3A_77 : memref<!tpu.dma_semaphore, #tpu.memory_space<semaphore_mem>>)
        %dma_wait3A_88 = arith.constant 2 : i32
        %dma_wait3A_89 = arith.constant 0 : i32
        %dma_wait3A_90 = tpu.memref_slice %arg6[%dma_wait3A_88, %dma_wait3A_89] : memref<3x128xi32, #tpu.memory_space<vmem>> -> memref<1x128xi32, #tpu.memory_space<vmem>>
        %dma_wait3A_91 = arith.constant 0 : i32
        %dma_wait3A_92 = tpu.memref_slice %arg4[%add3A_76, %dma_wait3A_91] : memref<36x128xi32, #tpu.memory_space<hbm>> -> memref<1x128xi32, #tpu.memory_space<hbm>>
        %dma_wait3A_93 = arith.constant 2 : i32
        %dma_wait3A_94 = arith.constant 0 : i32
        %dma_wait3A_95 = tpu.memref_slice %arg6[%dma_wait3A_93, %dma_wait3A_94] : memref<3x128xi32, #tpu.memory_space<vmem>> -> memref<1x128xi32, #tpu.memory_space<vmem>>
        %dma_wait3A_96 = arith.constant 0 : i32
        %dma_wait3A_97 = tpu.memref_slice %arg4[%add3A_76, %dma_wait3A_96] : memref<36x128xi32, #tpu.memory_space<hbm>> -> memref<1x128xi32, #tpu.memory_space<hbm>>
        tpu.wait_dma2 semaphore(%run_scoped3A_77 : memref<!tpu.dma_semaphore, #tpu.memory_space<semaphore_mem>>) src(%dma_wait3A_97 : memref<1x128xi32, #tpu.memory_space<hbm>>) dst(%dma_wait3A_95 : memref<1x128xi32, #tpu.memory_space<vmem>>)
        tpu.yield
      }) : () -> ()
    } else {
    }
    %dma_start3A = arith.constant 0 : i32
    %dma_start3A_12 = arith.constant 0 : i32
    %dma_start3A_13 = arith.constant 0 : i32
    %dma_start3A_14 = arith.constant 0 : i32
    %dma_start3A_15 = tpu.memref_slice %arg7[%dma_start3A_12, %dma_start3A_13, %dma_start3A_14] : memref<3x128x64xf32, #tpu.memory_space<vmem>> -> memref<1x128x64xf32, #tpu.memory_space<vmem>>
    %dma_start3A_16 = tpu.memref_squeeze %dma_start3A_15 : memref<1x128x64xf32, #tpu.memory_space<vmem>> -> memref<128x64xf32, #tpu.memory_space<vmem>>
    %dma_start3A_17 = arith.constant 0 : i32
    %dma_start3A_18 = tpu.memref_slice %arg6[%dma_start3A, %dma_start3A_17] : memref<3x128xi32, #tpu.memory_space<vmem>> -> memref<1x128xi32, #tpu.memory_space<vmem>>
    %dma_start3A_19 = tpu.memref_squeeze %dma_start3A_18 : memref<1x128xi32, #tpu.memory_space<vmem>> -> memref<128xi32, #tpu.memory_space<vmem>>
    %dma_start3A_20 = arith.constant 0 : i32
    %dma_start3A_21 = arith.constant 0 : i32
    %dma_start3A_22 = tpu.memref_slice %arg2[%dma_start3A_20, %dma_start3A_21] : memref<1024x64xf32, #tpu.memory_space<hbm>> -> memref<1024x64xf32, #tpu.memory_space<hbm>>
    tpu.enqueue_indirect_dma source(%dma_start3A_22 : memref<1024x64xf32, #tpu.memory_space<hbm>>) target(%dma_start3A_16 : memref<128x64xf32, #tpu.memory_space<vmem>>) offsets(%dma_start3A_19 : memref<128xi32, #tpu.memory_space<vmem>>) semaphore(%arg8 : memref<!tpu.dma_semaphore, #tpu.memory_space<semaphore_mem>>)
    %dma_start3A_23 = arith.constant 1 : i32
    %dma_start3A_24 = arith.constant 1 : i32
    %dma_start3A_25 = arith.constant 0 : i32
    %dma_start3A_26 = arith.constant 0 : i32
    %dma_start3A_27 = tpu.memref_slice %arg7[%dma_start3A_24, %dma_start3A_25, %dma_start3A_26] : memref<3x128x64xf32, #tpu.memory_space<vmem>> -> memref<1x128x64xf32, #tpu.memory_space<vmem>>
    %dma_start3A_28 = tpu.memref_squeeze %dma_start3A_27 : memref<1x128x64xf32, #tpu.memory_space<vmem>> -> memref<128x64xf32, #tpu.memory_space<vmem>>
    %dma_start3A_29 = arith.constant 0 : i32
    %dma_start3A_30 = tpu.memref_slice %arg6[%dma_start3A_23, %dma_start3A_29] : memref<3x128xi32, #tpu.memory_space<vmem>> -> memref<1x128xi32, #tpu.memory_space<vmem>>
    %dma_start3A_31 = tpu.memref_squeeze %dma_start3A_30 : memref<1x128xi32, #tpu.memory_space<vmem>> -> memref<128xi32, #tpu.memory_space<vmem>>
    %dma_start3A_32 = arith.constant 0 : i32
    %dma_start3A_33 = arith.constant 0 : i32
    %dma_start3A_34 = tpu.memref_slice %arg2[%dma_start3A_32, %dma_start3A_33] : memref<1024x64xf32, #tpu.memory_space<hbm>> -> memref<1024x64xf32, #tpu.memory_space<hbm>>
    tpu.enqueue_indirect_dma source(%dma_start3A_34 : memref<1024x64xf32, #tpu.memory_space<hbm>>) target(%dma_start3A_28 : memref<128x64xf32, #tpu.memory_space<vmem>>) offsets(%dma_start3A_31 : memref<128xi32, #tpu.memory_space<vmem>>) semaphore(%arg9 : memref<!tpu.dma_semaphore, #tpu.memory_space<semaphore_mem>>)
    %lt3A_35 = arith.constant 8 : i32
    %lt3A_36 = arith.cmpi slt, %add3A, %lt3A_35 : i32
    %convert_element_type3A_37 = arith.extui %lt3A_36 : i1 to i32
    %cond3A_38 = arith.constant 0 : i32
    %cond3A_39 = arith.cmpi ne, %convert_element_type3A_37, %cond3A_38 : i32
    scf.if %cond3A_39 {
      %dma_start3A_75 = arith.constant 2 : i32
      %dma_start3A_76 = arith.constant 2 : i32
      %dma_start3A_77 = arith.constant 0 : i32
      %dma_start3A_78 = arith.constant 0 : i32
      %dma_start3A_79 = tpu.memref_slice %arg7[%dma_start3A_76, %dma_start3A_77, %dma_start3A_78] : memref<3x128x64xf32, #tpu.memory_space<vmem>> -> memref<1x128x64xf32, #tpu.memory_space<vmem>>
      %dma_start3A_80 = tpu.memref_squeeze %dma_start3A_79 : memref<1x128x64xf32, #tpu.memory_space<vmem>> -> memref<128x64xf32, #tpu.memory_space<vmem>>
      %dma_start3A_81 = arith.constant 0 : i32
      %dma_start3A_82 = tpu.memref_slice %arg6[%dma_start3A_75, %dma_start3A_81] : memref<3x128xi32, #tpu.memory_space<vmem>> -> memref<1x128xi32, #tpu.memory_space<vmem>>
      %dma_start3A_83 = tpu.memref_squeeze %dma_start3A_82 : memref<1x128xi32, #tpu.memory_space<vmem>> -> memref<128xi32, #tpu.memory_space<vmem>>
      %dma_start3A_84 = arith.constant 0 : i32
      %dma_start3A_85 = arith.constant 0 : i32
      %dma_start3A_86 = tpu.memref_slice %arg2[%dma_start3A_84, %dma_start3A_85] : memref<1024x64xf32, #tpu.memory_space<hbm>> -> memref<1024x64xf32, #tpu.memory_space<hbm>>
      tpu.enqueue_indirect_dma source(%dma_start3A_86 : memref<1024x64xf32, #tpu.memory_space<hbm>>) target(%dma_start3A_80 : memref<128x64xf32, #tpu.memory_space<vmem>>) offsets(%dma_start3A_83 : memref<128xi32, #tpu.memory_space<vmem>>) semaphore(%arg10 : memref<!tpu.dma_semaphore, #tpu.memory_space<semaphore_mem>>)
    } else {
    }
    %dma_wait3A = arith.constant 0 : i32
    %dma_wait3A_40 = arith.constant 0 : i32
    %dma_wait3A_41 = arith.constant 0 : i32
    %dma_wait3A_42 = arith.constant 0 : i32
    %dma_wait3A_43 = tpu.memref_slice %arg7[%dma_wait3A_40, %dma_wait3A_41, %dma_wait3A_42] : memref<3x128x64xf32, #tpu.memory_space<vmem>> -> memref<1x128x64xf32, #tpu.memory_space<vmem>>
    %dma_wait3A_44 = tpu.memref_squeeze %dma_wait3A_43 : memref<1x128x64xf32, #tpu.memory_space<vmem>> -> memref<128x64xf32, #tpu.memory_space<vmem>>
    %dma_wait3A_45 = arith.constant 0 : i32
    %dma_wait3A_46 = tpu.memref_slice %arg6[%dma_wait3A, %dma_wait3A_45] : memref<3x128xi32, #tpu.memory_space<vmem>> -> memref<1x128xi32, #tpu.memory_space<vmem>>
    %dma_wait3A_47 = tpu.memref_squeeze %dma_wait3A_46 : memref<1x128xi32, #tpu.memory_space<vmem>> -> memref<128xi32, #tpu.memory_space<vmem>>
    %dma_wait3A_48 = arith.constant 0 : i32
    %dma_wait3A_49 = arith.constant 0 : i32
    %dma_wait3A_50 = tpu.memref_slice %arg2[%dma_wait3A_48, %dma_wait3A_49] : memref<1024x64xf32, #tpu.memory_space<hbm>> -> memref<1024x64xf32, #tpu.memory_space<hbm>>
    tpu.wait_indirect_dma semaphore(%arg8 : memref<!tpu.dma_semaphore, #tpu.memory_space<semaphore_mem>>) src(%dma_wait3A_50 : memref<1024x64xf32, #tpu.memory_space<hbm>>) dst(%dma_wait3A_44 : memref<128x64xf32, #tpu.memory_space<vmem>>)
    %mul3A_51 = arith.constant 128 : i32
    %mul3A_52 = arith.muli %add3A, %mul3A_51 : i32
    %run_scoped3A = arith.constant 0 : i32
    "tpu.region"() ({
      %run_scoped3A_75 = tpu.sem_alloc : memref<!tpu.dma_semaphore, #tpu.memory_space<semaphore_mem>>
      %dma_start3A_76 = arith.constant 0 : i32
      %dma_start3A_77 = arith.constant 0 : i32
      %dma_start3A_78 = tpu.memref_slice %arg7[%run_scoped3A, %dma_start3A_76, %dma_start3A_77] : memref<3x128x64xf32, #tpu.memory_space<vmem>> -> memref<1x128x64xf32, #tpu.memory_space<vmem>>
      %dma_start3A_79 = tpu.memref_squeeze %dma_start3A_78 : memref<1x128x64xf32, #tpu.memory_space<vmem>> -> memref<128x64xf32, #tpu.memory_space<vmem>>
      %dma_start3A_80 = arith.constant 0 : i32
      %dma_start3A_81 = tpu.memref_slice %arg5[%mul3A_52, %dma_start3A_80] : memref<9216x64xf32, #tpu.memory_space<hbm>> -> memref<128x64xf32, #tpu.memory_space<hbm>>
      %dma_start3A_82 = arith.constant 0 : i32
      %dma_start3A_83 = tpu.memref_slice %arg5[%mul3A_52, %dma_start3A_82] : memref<9216x64xf32, #tpu.memory_space<hbm>> -> memref<128x64xf32, #tpu.memory_space<hbm>>
      %dma_start3A_84 = arith.constant 0 : i32
      %dma_start3A_85 = arith.constant 0 : i32
      %dma_start3A_86 = tpu.memref_slice %arg7[%run_scoped3A, %dma_start3A_84, %dma_start3A_85] : memref<3x128x64xf32, #tpu.memory_space<vmem>> -> memref<1x128x64xf32, #tpu.memory_space<vmem>>
      %dma_start3A_87 = tpu.memref_squeeze %dma_start3A_86 : memref<1x128x64xf32, #tpu.memory_space<vmem>> -> memref<128x64xf32, #tpu.memory_space<vmem>>
      tpu.enqueue_dma source(%dma_start3A_87 : memref<128x64xf32, #tpu.memory_space<vmem>>) target(%dma_start3A_83 : memref<128x64xf32, #tpu.memory_space<hbm>>) target_semaphore(%run_scoped3A_75 : memref<!tpu.dma_semaphore, #tpu.memory_space<semaphore_mem>>)
      %dma_wait3A_88 = arith.constant 0 : i32
      %dma_wait3A_89 = arith.constant 0 : i32
      %dma_wait3A_90 = tpu.memref_slice %arg7[%run_scoped3A, %dma_wait3A_88, %dma_wait3A_89] : memref<3x128x64xf32, #tpu.memory_space<vmem>> -> memref<1x128x64xf32, #tpu.memory_space<vmem>>
      %dma_wait3A_91 = tpu.memref_squeeze %dma_wait3A_90 : memref<1x128x64xf32, #tpu.memory_space<vmem>> -> memref<128x64xf32, #tpu.memory_space<vmem>>
      %dma_wait3A_92 = arith.constant 0 : i32
      %dma_wait3A_93 = tpu.memref_slice %arg5[%mul3A_52, %dma_wait3A_92] : memref<9216x64xf32, #tpu.memory_space<hbm>> -> memref<128x64xf32, #tpu.memory_space<hbm>>
      %dma_wait3A_94 = arith.constant 0 : i32
      %dma_wait3A_95 = tpu.memref_slice %arg5[%mul3A_52, %dma_wait3A_94] : memref<9216x64xf32, #tpu.memory_space<hbm>> -> memref<128x64xf32, #tpu.memory_space<hbm>>
      %dma_wait3A_96 = arith.constant 0 : i32
      %dma_wait3A_97 = arith.constant 0 : i32
      %dma_wait3A_98 = tpu.memref_slice %arg7[%run_scoped3A, %dma_wait3A_96, %dma_wait3A_97] : memref<3x128x64xf32, #tpu.memory_space<vmem>> -> memref<1x128x64xf32, #tpu.memory_space<vmem>>
      %dma_wait3A_99 = tpu.memref_squeeze %dma_wait3A_98 : memref<1x128x64xf32, #tpu.memory_space<vmem>> -> memref<128x64xf32, #tpu.memory_space<vmem>>
      tpu.wait_dma2 semaphore(%run_scoped3A_75 : memref<!tpu.dma_semaphore, #tpu.memory_space<semaphore_mem>>) src(%dma_wait3A_99 : memref<128x64xf32, #tpu.memory_space<vmem>>) dst(%dma_wait3A_95 : memref<128x64xf32, #tpu.memory_space<hbm>>)
      tpu.yield
    }) : () -> ()
    %add3A_53 = arith.constant 32 : i32
    %add3A_54 = arith.addi %add3A, %add3A_53 : i32
    %dma_wait3A_55 = arith.constant 1 : i32
    %dma_wait3A_56 = arith.constant 1 : i32
    %dma_wait3A_57 = arith.constant 0 : i32
    %dma_wait3A_58 = arith.constant 0 : i32
    %dma_wait3A_59 = tpu.memref_slice %arg7[%dma_wait3A_56, %dma_wait3A_57, %dma_wait3A_58] : memref<3x128x64xf32, #tpu.memory_space<vmem>> -> memref<1x128x64xf32, #tpu.memory_space<vmem>>
    %dma_wait3A_60 = tpu.memref_squeeze %dma_wait3A_59 : memref<1x128x64xf32, #tpu.memory_space<vmem>> -> memref<128x64xf32, #tpu.memory_space<vmem>>
    %dma_wait3A_61 = arith.constant 0 : i32
    %dma_wait3A_62 = tpu.memref_slice %arg6[%dma_wait3A_55, %dma_wait3A_61] : memref<3x128xi32, #tpu.memory_space<vmem>> -> memref<1x128xi32, #tpu.memory_space<vmem>>
    %dma_wait3A_63 = tpu.memref_squeeze %dma_wait3A_62 : memref<1x128xi32, #tpu.memory_space<vmem>> -> memref<128xi32, #tpu.memory_space<vmem>>
    %dma_wait3A_64 = arith.constant 0 : i32
    %dma_wait3A_65 = arith.constant 0 : i32
    %dma_wait3A_66 = tpu.memref_slice %arg2[%dma_wait3A_64, %dma_wait3A_65] : memref<1024x64xf32, #tpu.memory_space<hbm>> -> memref<1024x64xf32, #tpu.memory_space<hbm>>
    tpu.wait_indirect_dma semaphore(%arg9 : memref<!tpu.dma_semaphore, #tpu.memory_space<semaphore_mem>>) src(%dma_wait3A_66 : memref<1024x64xf32, #tpu.memory_space<hbm>>) dst(%dma_wait3A_60 : memref<128x64xf32, #tpu.memory_space<vmem>>)
    %mul3A_67 = arith.constant 128 : i32
    %mul3A_68 = arith.muli %add3A_54, %mul3A_67 : i32
    %run_scoped3A_69 = arith.constant 1 : i32
    "tpu.region"() ({
      %run_scoped3A_75 = tpu.sem_alloc : memref<!tpu.dma_semaphore, #tpu.memory_space<semaphore_mem>>
      %dma_start3A_76 = arith.constant 0 : i32
      %dma_start3A_77 = arith.constant 0 : i32
      %dma_start3A_78 = tpu.memref_slice %arg7[%run_scoped3A_69, %dma_start3A_76, %dma_start3A_77] : memref<3x128x64xf32, #tpu.memory_space<vmem>> -> memref<1x128x64xf32, #tpu.memory_space<vmem>>
      %dma_start3A_79 = tpu.memref_squeeze %dma_start3A_78 : memref<1x128x64xf32, #tpu.memory_space<vmem>> -> memref<128x64xf32, #tpu.memory_space<vmem>>
      %dma_start3A_80 = arith.constant 0 : i32
      %dma_start3A_81 = tpu.memref_slice %arg5[%mul3A_68, %dma_start3A_80] : memref<9216x64xf32, #tpu.memory_space<hbm>> -> memref<128x64xf32, #tpu.memory_space<hbm>>
      %dma_start3A_82 = arith.constant 0 : i32
      %dma_start3A_83 = tpu.memref_slice %arg5[%mul3A_68, %dma_start3A_82] : memref<9216x64xf32, #tpu.memory_space<hbm>> -> memref<128x64xf32, #tpu.memory_space<hbm>>
      %dma_start3A_84 = arith.constant 0 : i32
      %dma_start3A_85 = arith.constant 0 : i32
      %dma_start3A_86 = tpu.memref_slice %arg7[%run_scoped3A_69, %dma_start3A_84, %dma_start3A_85] : memref<3x128x64xf32, #tpu.memory_space<vmem>> -> memref<1x128x64xf32, #tpu.memory_space<vmem>>
      %dma_start3A_87 = tpu.memref_squeeze %dma_start3A_86 : memref<1x128x64xf32, #tpu.memory_space<vmem>> -> memref<128x64xf32, #tpu.memory_space<vmem>>
      tpu.enqueue_dma source(%dma_start3A_87 : memref<128x64xf32, #tpu.memory_space<vmem>>) target(%dma_start3A_83 : memref<128x64xf32, #tpu.memory_space<hbm>>) target_semaphore(%run_scoped3A_75 : memref<!tpu.dma_semaphore, #tpu.memory_space<semaphore_mem>>)
      %dma_wait3A_88 = arith.constant 0 : i32
      %dma_wait3A_89 = arith.constant 0 : i32
      %dma_wait3A_90 = tpu.memref_slice %arg7[%run_scoped3A_69, %dma_wait3A_88, %dma_wait3A_89] : memref<3x128x64xf32, #tpu.memory_space<vmem>> -> memref<1x128x64xf32, #tpu.memory_space<vmem>>
      %dma_wait3A_91 = tpu.memref_squeeze %dma_wait3A_90 : memref<1x128x64xf32, #tpu.memory_space<vmem>> -> memref<128x64xf32, #tpu.memory_space<vmem>>
      %dma_wait3A_92 = arith.constant 0 : i32
      %dma_wait3A_93 = tpu.memref_slice %arg5[%mul3A_68, %dma_wait3A_92] : memref<9216x64xf32, #tpu.memory_space<hbm>> -> memref<128x64xf32, #tpu.memory_space<hbm>>
      %dma_wait3A_94 = arith.constant 0 : i32
      %dma_wait3A_95 = tpu.memref_slice %arg5[%mul3A_68, %dma_wait3A_94] : memref<9216x64xf32, #tpu.memory_space<hbm>> -> memref<128x64xf32, #tpu.memory_space<hbm>>
      %dma_wait3A_96 = arith.constant 0 : i32
      %dma_wait3A_97 = arith.constant 0 : i32
      %dma_wait3A_98 = tpu.memref_slice %arg7[%run_scoped3A_69, %dma_wait3A_96, %dma_wait3A_97] : memref<3x128x64xf32, #tpu.memory_space<vmem>> -> memref<1x128x64xf32, #tpu.memory_space<vmem>>
      %dma_wait3A_99 = tpu.memref_squeeze %dma_wait3A_98 : memref<1x128x64xf32, #tpu.memory_space<vmem>> -> memref<128x64xf32, #tpu.memory_space<vmem>>
      tpu.wait_dma2 semaphore(%run_scoped3A_75 : memref<!tpu.dma_semaphore, #tpu.memory_space<semaphore_mem>>) src(%dma_wait3A_99 : memref<128x64xf32, #tpu.memory_space<vmem>>) dst(%dma_wait3A_95 : memref<128x64xf32, #tpu.memory_space<hbm>>)
      tpu.yield
    }) : () -> ()
    %lt3A_70 = arith.constant 8 : i32
    %lt3A_71 = arith.cmpi slt, %add3A, %lt3A_70 : i32
    %convert_element_type3A_72 = arith.extui %lt3A_71 : i1 to i32
    %cond3A_73 = arith.constant 0 : i32
    %cond3A_74 = arith.cmpi ne, %convert_element_type3A_72, %cond3A_73 : i32
    scf.if %cond3A_74 {
      %add3A_75 = arith.constant 64 : i32
      %add3A_76 = arith.addi %add3A, %add3A_75 : i32
      %dma_wait3A_77 = arith.constant 2 : i32
      %dma_wait3A_78 = arith.constant 2 : i32
      %dma_wait3A_79 = arith.constant 0 : i32
      %dma_wait3A_80 = arith.constant 0 : i32
      %dma_wait3A_81 = tpu.memref_slice %arg7[%dma_wait3A_78, %dma_wait3A_79, %dma_wait3A_80] : memref<3x128x64xf32, #tpu.memory_space<vmem>> -> memref<1x128x64xf32, #tpu.memory_space<vmem>>
      %dma_wait3A_82 = tpu.memref_squeeze %dma_wait3A_81 : memref<1x128x64xf32, #tpu.memory_space<vmem>> -> memref<128x64xf32, #tpu.memory_space<vmem>>
      %dma_wait3A_83 = arith.constant 0 : i32
      %dma_wait3A_84 = tpu.memref_slice %arg6[%dma_wait3A_77, %dma_wait3A_83] : memref<3x128xi32, #tpu.memory_space<vmem>> -> memref<1x128xi32, #tpu.memory_space<vmem>>
      %dma_wait3A_85 = tpu.memref_squeeze %dma_wait3A_84 : memref<1x128xi32, #tpu.memory_space<vmem>> -> memref<128xi32, #tpu.memory_space<vmem>>
      %dma_wait3A_86 = arith.constant 0 : i32
      %dma_wait3A_87 = arith.constant 0 : i32
      %dma_wait3A_88 = tpu.memref_slice %arg2[%dma_wait3A_86, %dma_wait3A_87] : memref<1024x64xf32, #tpu.memory_space<hbm>> -> memref<1024x64xf32, #tpu.memory_space<hbm>>
      tpu.wait_indirect_dma semaphore(%arg10 : memref<!tpu.dma_semaphore, #tpu.memory_space<semaphore_mem>>) src(%dma_wait3A_88 : memref<1024x64xf32, #tpu.memory_space<hbm>>) dst(%dma_wait3A_82 : memref<128x64xf32, #tpu.memory_space<vmem>>)
      %mul3A_89 = arith.constant 128 : i32
      %mul3A_90 = arith.muli %add3A_76, %mul3A_89 : i32
      %run_scoped3A_91 = arith.constant 2 : i32
      "tpu.region"() ({
        %run_scoped3A_92 = tpu.sem_alloc : memref<!tpu.dma_semaphore, #tpu.memory_space<semaphore_mem>>
        %dma_start3A_93 = arith.constant 0 : i32
        %dma_start3A_94 = arith.constant 0 : i32
        %dma_start3A_95 = tpu.memref_slice %arg7[%run_scoped3A_91, %dma_start3A_93, %dma_start3A_94] : memref<3x128x64xf32, #tpu.memory_space<vmem>> -> memref<1x128x64xf32, #tpu.memory_space<vmem>>
        %dma_start3A_96 = tpu.memref_squeeze %dma_start3A_95 : memref<1x128x64xf32, #tpu.memory_space<vmem>> -> memref<128x64xf32, #tpu.memory_space<vmem>>
        %dma_start3A_97 = arith.constant 0 : i32
        %dma_start3A_98 = tpu.memref_slice %arg5[%mul3A_90, %dma_start3A_97] : memref<9216x64xf32, #tpu.memory_space<hbm>> -> memref<128x64xf32, #tpu.memory_space<hbm>>
        %dma_start3A_99 = arith.constant 0 : i32
        %dma_start3A_100 = tpu.memref_slice %arg5[%mul3A_90, %dma_start3A_99] : memref<9216x64xf32, #tpu.memory_space<hbm>> -> memref<128x64xf32, #tpu.memory_space<hbm>>
        %dma_start3A_101 = arith.constant 0 : i32
        %dma_start3A_102 = arith.constant 0 : i32
        %dma_start3A_103 = tpu.memref_slice %arg7[%run_scoped3A_91, %dma_start3A_101, %dma_start3A_102] : memref<3x128x64xf32, #tpu.memory_space<vmem>> -> memref<1x128x64xf32, #tpu.memory_space<vmem>>
        %dma_start3A_104 = tpu.memref_squeeze %dma_start3A_103 : memref<1x128x64xf32, #tpu.memory_space<vmem>> -> memref<128x64xf32, #tpu.memory_space<vmem>>
        tpu.enqueue_dma source(%dma_start3A_104 : memref<128x64xf32, #tpu.memory_space<vmem>>) target(%dma_start3A_100 : memref<128x64xf32, #tpu.memory_space<hbm>>) target_semaphore(%run_scoped3A_92 : memref<!tpu.dma_semaphore, #tpu.memory_space<semaphore_mem>>)
        %dma_wait3A_105 = arith.constant 0 : i32
        %dma_wait3A_106 = arith.constant 0 : i32
        %dma_wait3A_107 = tpu.memref_slice %arg7[%run_scoped3A_91, %dma_wait3A_105, %dma_wait3A_106] : memref<3x128x64xf32, #tpu.memory_space<vmem>> -> memref<1x128x64xf32, #tpu.memory_space<vmem>>
        %dma_wait3A_108 = tpu.memref_squeeze %dma_wait3A_107 : memref<1x128x64xf32, #tpu.memory_space<vmem>> -> memref<128x64xf32, #tpu.memory_space<vmem>>
        %dma_wait3A_109 = arith.constant 0 : i32
        %dma_wait3A_110 = tpu.memref_slice %arg5[%mul3A_90, %dma_wait3A_109] : memref<9216x64xf32, #tpu.memory_space<hbm>> -> memref<128x64xf32, #tpu.memory_space<hbm>>
        %dma_wait3A_111 = arith.constant 0 : i32
        %dma_wait3A_112 = tpu.memref_slice %arg5[%mul3A_90, %dma_wait3A_111] : memref<9216x64xf32, #tpu.memory_space<hbm>> -> memref<128x64xf32, #tpu.memory_space<hbm>>
        %dma_wait3A_113 = arith.constant 0 : i32
        %dma_wait3A_114 = arith.constant 0 : i32
        %dma_wait3A_115 = tpu.memref_slice %arg7[%run_scoped3A_91, %dma_wait3A_113, %dma_wait3A_114] : memref<3x128x64xf32, #tpu.memory_space<vmem>> -> memref<1x128x64xf32, #tpu.memory_space<vmem>>
        %dma_wait3A_116 = tpu.memref_squeeze %dma_wait3A_115 : memref<1x128x64xf32, #tpu.memory_space<vmem>> -> memref<128x64xf32, #tpu.memory_space<vmem>>
        tpu.wait_dma2 semaphore(%run_scoped3A_92 : memref<!tpu.dma_semaphore, #tpu.memory_space<semaphore_mem>>) src(%dma_wait3A_116 : memref<128x64xf32, #tpu.memory_space<vmem>>) dst(%dma_wait3A_112 : memref<128x64xf32, #tpu.memory_space<hbm>>)
        tpu.yield
      }) : () -> ()
    } else {
    }
    return
  }
}

module attributes {stable_mosaic.version = 14 : i64} {
  func.func @_idx_body(%arg0: i32, %arg1: memref<4608x64xf32, #tpu.memory_space<vmem>>, %arg2: memref<1024x64xf32, #tpu.memory_space<vmem>>, %arg3: memref<36x128xi32, #tpu.memory_space<vmem>>, %arg4: memref<36x128xi32, #tpu.memory_space<vmem>>, %arg5: memref<1024x64xf32, #tpu.memory_space<vmem>>) attributes {dimension_semantics = [#tpu.dimension_semantics<arbitrary>], iteration_bounds = array<i64: 2>, scalar_prefetch = 0 : i64, scratch_operands = 1 : i64, tpu.core_type = #tpu.core_type<tc>, window_params = [{transform_indices = @transform_0, window_bounds = array<i64: 4608, 64>}, {pipeline_mode = #tpu.pipeline_mode<synchronous>, transform_indices = @transform_1, window_bounds = array<i64: 1024, 64>}, {pipeline_mode = #tpu.pipeline_mode<synchronous>, transform_indices = @transform_2, window_bounds = array<i64: 36, 128>}, {pipeline_mode = #tpu.pipeline_mode<synchronous>, transform_indices = @transform_3, window_bounds = array<i64: 36, 128>}]} {
    %eq3A = arith.constant 0 : i32
    %eq3A_0 = arith.cmpi eq, %arg0, %eq3A : i32
    %convert_element_type3A = arith.extui %eq3A_0 : i1 to i32
    %cond3A = arith.constant 0 : i32
    %cond3A_1 = arith.cmpi ne, %convert_element_type3A, %cond3A : i32
    scf.if %cond3A_1 {
      %get3A_30 = arith.constant 0 : index
      %get3A_31 = arith.constant 0 : index
      %get3A_32 = vector.load %arg2[%get3A_30, %get3A_31] : memref<1024x64xf32, #tpu.memory_space<vmem>>, vector<1024x64xf32>
      %mul3A_33 = arith.mulf %get3A_32, %get3A_32 : vector<1024x64xf32>
      %reduce_sum3A_34 = arith.constant dense<0.000000e+00> : vector<1024xf32>
      %reduce_sum3A_35 = vector.multi_reduction <add>, %mul3A_33, %reduce_sum3A_34 [1] : vector<1024x64xf32> to vector<1024xf32>
      %broadcast_in_dim3A_36 = vector.shape_cast %reduce_sum3A_35 : vector<1024xf32> to vector<1024x1xf32>
      %sqrt3A_37 = math.sqrt %broadcast_in_dim3A_36 : vector<1024x1xf32>
      %max3A_38 = arith.constant 9.99999996E-13 : f32
      %max3A_39 = vector.broadcast %max3A_38 : f32 to vector<1024x1xf32>
      %max3A_40 = arith.maximumf %sqrt3A_37, %max3A_39 : vector<1024x1xf32>
      %div3A_41 = vector.broadcast %max3A_40 : vector<1024x1xf32> to vector<1024x64xf32>
      %div3A_42 = arith.divf %get3A_32, %div3A_41 : vector<1024x64xf32>
      %swap3A = arith.constant 0 : index
      %swap3A_43 = arith.constant 0 : index
      %swap3A_44 = vector.load %arg5[%swap3A, %swap3A_43] : memref<1024x64xf32, #tpu.memory_space<vmem>>, vector<1024x64xf32>
      tpu.vector_store %arg5[%swap3A, %swap3A_43], %div3A_42 {strides = array<i32>} : memref<1024x64xf32, #tpu.memory_space<vmem>>, vector<1024x64xf32>,
    } else {
    }
    %get3A = arith.constant 0 : index
    %get3A_2 = arith.constant 0 : index
    %get3A_3 = vector.load %arg1[%get3A, %get3A_2] : memref<4608x64xf32, #tpu.memory_space<vmem>>, vector<4608x64xf32>
    %mul3A = arith.mulf %get3A_3, %get3A_3 : vector<4608x64xf32>
    %reduce_sum3A = arith.constant dense<0.000000e+00> : vector<4608xf32>
    %reduce_sum3A_4 = vector.multi_reduction <add>, %mul3A, %reduce_sum3A [1] : vector<4608x64xf32> to vector<4608xf32>
    %broadcast_in_dim3A = vector.shape_cast %reduce_sum3A_4 : vector<4608xf32> to vector<4608x1xf32>
    %sqrt3A = math.sqrt %broadcast_in_dim3A : vector<4608x1xf32>
    %max3A = arith.constant 9.99999996E-13 : f32
    %max3A_5 = vector.broadcast %max3A : f32 to vector<4608x1xf32>
    %max3A_6 = arith.maximumf %sqrt3A, %max3A_5 : vector<4608x1xf32>
    %div3A = vector.broadcast %max3A_6 : vector<4608x1xf32> to vector<4608x64xf32>
    %div3A_7 = arith.divf %get3A_3, %div3A : vector<4608x64xf32>
    %get3A_8 = arith.constant 0 : index
    %get3A_9 = arith.constant 0 : index
    %get3A_10 = vector.load %arg5[%get3A_8, %get3A_9] : memref<1024x64xf32, #tpu.memory_space<vmem>>, vector<1024x64xf32>
    %dot_general3A = arith.constant dense<0.000000e+00> : vector<4608x1024xf32>
    %dot_general3A_11 = tpu.matmul %div3A_7, %get3A_10, %dot_general3A {dimension_numbers = #tpu.dot_dimension_numbers<[1], [1], [0], [0], [0, 0, 1, 0], [], []>, transpose_lhs_hint = false} : vector<4608x64xf32>, vector<1024x64xf32>, vector<4608x1024xf32> -> vector<4608x1024xf32>
    %reduce_max3A = arith.constant dense<0xFF800000> : vector<4608xf32>
    %reduce_max3A_12 = vector.multi_reduction <maximumf>, %dot_general3A_11, %reduce_max3A [1] : vector<4608x1024xf32> to vector<4608xf32>
    %broadcast_in_dim3A_13 = vector.shape_cast %reduce_max3A_12 : vector<4608xf32> to vector<4608x1xf32>
    %iota3A = tpu.iota {dimensions = array<i32: 1>} : vector<4608x1024xi32>
    %convert_element_type3A_14 = arith.sitofp %iota3A : vector<4608x1024xi32> to vector<4608x1024xf32>
    %eq3A_15 = vector.broadcast %broadcast_in_dim3A_13 : vector<4608x1xf32> to vector<4608x1024xf32>
    %eq3A_16 = arith.cmpf oeq, %dot_general3A_11, %eq3A_15 : vector<4608x1024xf32>
    %jit3A = arith.constant 4.096000e+03 : f32
    %broadcast_in_dim3A_17 = vector.broadcast %jit3A : f32 to vector<4608x1024xf32>
    %select_n3A = arith.select %eq3A_16, %convert_element_type3A_14, %broadcast_in_dim3A_17 : vector<4608x1024xi1>, vector<4608x1024xf32>
    %reduce_min3A = arith.constant dense<0x7F800000> : vector<4608xf32>
    %reduce_min3A_18 = vector.multi_reduction <minimumf>, %select_n3A, %reduce_min3A [1] : vector<4608x1024xf32> to vector<4608xf32>
    %convert_element_type3A_19 = arith.fptosi %reduce_min3A_18 : vector<4608xf32> to vector<4608xi32>
    %reshape3A = vector.shape_cast %convert_element_type3A_19 : vector<4608xi32> to vector<36x128xi32>
    %eq3A_20 = arith.constant 0 : i32
    %eq3A_21 = arith.cmpi eq, %arg0, %eq3A_20 : i32
    %convert_element_type3A_22 = arith.extui %eq3A_21 : i1 to i32
    %cond3A_23 = arith.constant 0 : i32
    %cond3A_24 = arith.cmpi ne, %convert_element_type3A_22, %cond3A_23 : i32
    scf.if %cond3A_24 {
      %swap3A = arith.constant 0 : index
      %swap3A_30 = arith.constant 0 : index
      %swap3A_31 = vector.load %arg3[%swap3A, %swap3A_30] : memref<36x128xi32, #tpu.memory_space<vmem>>, vector<36x128xi32>
      tpu.vector_store %arg3[%swap3A, %swap3A_30], %reshape3A {strides = array<i32>} : memref<36x128xi32, #tpu.memory_space<vmem>>, vector<36x128xi32>,
    } else {
    }
    %eq3A_25 = arith.constant 1 : i32
    %eq3A_26 = arith.cmpi eq, %arg0, %eq3A_25 : i32
    %convert_element_type3A_27 = arith.extui %eq3A_26 : i1 to i32
    %cond3A_28 = arith.constant 0 : i32
    %cond3A_29 = arith.cmpi ne, %convert_element_type3A_27, %cond3A_28 : i32
    scf.if %cond3A_29 {
      %swap3A = arith.constant 0 : index
      %swap3A_30 = arith.constant 0 : index
      %swap3A_31 = vector.load %arg4[%swap3A, %swap3A_30] : memref<36x128xi32, #tpu.memory_space<vmem>>, vector<36x128xi32>
      tpu.vector_store %arg4[%swap3A, %swap3A_30], %reshape3A {strides = array<i32>} : memref<36x128xi32, #tpu.memory_space<vmem>>, vector<36x128xi32>,
    } else {
    }
    return
  }
  func.func @transform_0(%arg0: i32) -> (i32, i32) {
    %c0_i32 = arith.constant 0 : i32
    %c0_i32_0 = arith.constant 0 : i32
    return %arg0, %c0_i32 : i32, i32
  }
  func.func @transform_1(%arg0: i32) -> (i32, i32) {
    %c0_i32 = arith.constant 0 : i32
    %c0_i32_0 = arith.constant 0 : i32
    %c0_i32_1 = arith.constant 0 : i32
    return %c0_i32, %c0_i32_0 : i32, i32
  }
  func.func @transform_2(%arg0: i32) -> (i32, i32) {
    %c0_i32 = arith.constant 0 : i32
    %c0_i32_0 = arith.constant 0 : i32
    %c0_i32_1 = arith.constant 0 : i32
    return %c0_i32, %c0_i32_0 : i32, i32
  }
  func.func @transform_3(%arg0: i32) -> (i32, i32) {
    %c0_i32 = arith.constant 0 : i32
    %c0_i32_0 = arith.constant 0 : i32
    %c0_i32_1 = arith.constant 0 : i32
    return %c0_i32, %c0_i32_0 : i32, i32
  }
}

</mosaic_0001>

<sc_bundles>
// kernel: kernel.4.cloned.1.call-start
scs
__scs_entry_jumppad:
0x0: {  	(pc) =	sbr.rel $0x88, $3  }
0x1: {  	(tag) =	ssettag $0x0;
	lr =	simm.s32 $0x1  }
0x2: {  	[smem:$0x3F9F] =	sst lr;
	_ =	strace $0xD0000000  }
0x3: {  	_ = 	snop  }
0x4: {  	_ = 	snop  }
0x5: {  	_ = 	snop  }
0x6: {  	_ = 	snop  }
0x7: {  	_ = 	snop  }
__scs_overlays_trampoline_lowered:
0x8: {  	[smem:$0x3FAE] =	sst s0  }
0x9: {  	[smem:$0x3FAF] =	sst s1  }
0xa: {  	[smem:$0x3FB0] =	sst s2  }
0xb: {  	[smem:$0x3FB1] =	sst s3  }
0xc: {  	[smem:$0x3FB2] =	sst s4  }
0xd: {  	[smem:$0x3FB3] =	sst s5  }
0xe: {  	[smem:$0x3FB4] =	sst s6  }
0xf: {  	[smem:$0x3FB5] =	sst s7  }
0x10: {  	[smem:$0x3FB6] =	sst s8  }
0x11: {  	[smem:$0x3FB7] =	sst s9;
	s0 =	simm.s32 @!p0 $0x0  }
0x12: {  	s1 =	sld [smem:$0x3F9D];
	s0 =	simm.s32 @p0 $0x1  }
0x13: {  	[smem:$0x3FB8] =	sst s0;
	s0 =	simm.s32 @!p1 $0x0  }
0x14: {  	s2 =	sld [smem:$0x3F9C];
	s0 =	simm.s32 @p1 $0x1  }
0x15: {  	[smem:$0x3FB9] =	sst s0;
	s0 =	simm.s32 @!p2 $0x0  }
0x16: {  	s3 =	sld [smem:$0x3FDB];
	s0 =	simm.s32 @p2 $0x1  }
0x17: {  	s4 =	simm.s32 $0x1BF5;
	[smem:$0x3FBB] =	sst s0  }
0x18: {  	s0 =	sld [smem:$0x3F9E];
	_ =	swait.ge [sflag:s4], $0x0  }
0x19: {  	s7 =	sld [smem:$0x3F9F]  }
0x1a: {  	s8 =	sadd.s32 $0xFFFFE003, lr  }
0x1b: {  	s9 =	sadd.s32 $0xFFFFFEF7, lr;
	s5 =	simm.s32 $0xFFFFFFFF;
	p2 =	slt.u32 s8, $0xFFFFF086  }
0x1c: {  	p1 =	slt.u32 s9, $0xF7A;
	s5 =	simm.s32 @!p2 $0x0  }
0x1d: {  	s5 =	simm.s32 @p1 $0x1;
	p0 =	seq.s32 s7, s2  }
0x1e: {  	s7 =	smul.u32 @!p0 $0xF7A, s2;
	p2 =	seq.s32 @!p0 s5, $0x0  }
0x1f: {  	s9 =	smul.u32 $0xF7A, s1;
	s8 =	simm.s32 @!p0 $0x1BF5;
	p2 =	por !p2, p0  }
0x20: {  	[sflag:s8] =	ssyncset.s32 @!p0 $0xFFFFF086;
	s6 =	sadd.s32 @!p0 s3, s7;
	s7 =	simm.s32 @!p0 $0x108  }
0x21: {  	s3 =	sadd.s32 s3, s9;
	s6 =	sadd.s32 @!p0 $0x88, s6;
	s7 =	simm.s32 @p2 $0x1082  }
0x22: {  	[simem:s7], [sflag:s8] =	dma.local @!p0 [hbm:s6], $0xF7A  }
0x23: {  	s9 =	sor.u32 $0xD0000000, s2;
	s6 =	simm.s32 $0x108;
	_ =	swait.ge @!p0 [sflag:s8], $0x0  }
0x24: {  	s3 =	sadd.s32 $0x88, s3;
	s6 =	simm.s32 @!p1 $0x1082;
	[sflag:s4] =	ssyncset.s32 $0xFFFFF086  }
0x25: {  	[simem:s6], [sflag:s4] =	dma.local [hbm:s3], $0xF7A  }
0x26: {  	[smem:$0x3F9F] =	sst s1;
	(tag) =	ssettag s2;
	_ =	strace s9  }
0x27: {  	s1 =	sld [smem:$0x3FAF]  }
0x28: {  	s2 =	sld [smem:$0x3FB0]  }
0x29: {  	s4 =	sld [smem:$0x3FB2]  }
0x2a: {  	p0 =	seq.s32 s5, $0x0;
	s5 =	sld [smem:$0x3FB3]  }
0x2b: {  	s6 =	sld [smem:$0x3FB4]  }
0x2c: {  	s7 =	sld [smem:$0x3FB5]  }
0x2d: {  	s3 =	simm.s32 $0x108;
	s8 =	sld [smem:$0x3FB6]  }
0x2e: {  	s3 =	simm.s32 @!p0 $0x1082;
	s9 =	sld [smem:$0x3FB7]  }
0x2f: {  	lr =	sadd.s32 s0, s3;
	s0 =	sld [smem:$0x3FAE]  }
0x30: {  	s3 =	sld [smem:$0x3FB1]  }
0x31: {  	[smem:$0x3FBA] =	sst s10  }
0x32: {  	s10 =	sld [smem:$0x3FB8];
	_ =	sdelay $0x3  }
0x33: {  	p0 =	seq.s32 s10, $0x1;
	s10 =	sld [smem:$0x3FBA];
	_ =	sdelay $0x3  }
0x34: {  	[smem:$0x3FBA] =	sst s10  }
0x35: {  	s10 =	sld [smem:$0x3FB9];
	_ =	sdelay $0x3  }
0x36: {  	p1 =	seq.s32 s10, $0x1;
	s10 =	sld [smem:$0x3FBA];
	_ =	sdelay $0x3  }
0x37: {  	[smem:$0x3FBA] =	sst s10  }
0x38: {  	s10 =	sld [smem:$0x3FBB]  }
0x39: {  	_ = 	snop;
	(pc) =	sbr.ind lr, $3  }
0x3a: {  	_ = 	snop  }
0x3b: {  	_ = 	snop  }
0x3c: {  	p2 =	seq.s32 s10, $0x1;
	s10 =	sld [smem:$0x3FBA]  }
0x3d: {  	_ =	shalt  }
0x3e: {  	_ =	shalt  }
0x3f: {  	_ =	shalt  }
0x40: {  	_ =	shalt  }
0x41: {  	_ =	shalt  }
0x42: {  	_ =	shalt  }
0x43: {  	_ =	shalt  }
0x44: {  	_ =	shalt  }
0x45: {  	_ =	shalt  }
0x46: {  	_ =	shalt  }
0x47: {  	_ =	shalt  }
0x48: {  	_ =	shalt  }
0x49: {  	_ =	shalt  }
0x4a: {  	_ =	shalt  }
0x4b: {  	_ =	shalt  }
0x4c: {  	_ =	shalt  }
0x4d: {  	_ =	shalt  }
0x4e: {  	_ =	shalt  }
0x4f: {  	_ =	shalt  }
0x50: {  	_ =	shalt  }
0x51: {  	_ =	shalt  }
0x52: {  	_ =	shalt  }
0x53: {  	_ =	shalt  }
0x54: {  	_ =	shalt  }
0x55: {  	_ =	shalt  }
0x56: {  	_ =	shalt  }
0x57: {  	_ =	shalt  }
0x58: {  	_ =	shalt  }
0x59: {  	_ =	shalt  }
0x5a: {  	_ =	shalt  }
0x5b: {  	_ =	shalt  }
0x5c: {  	_ =	shalt  }
0x5d: {  	_ =	shalt  }
0x5e: {  	_ =	shalt  }
0x5f: {  	_ =	shalt  }
0x60: {  	_ =	shalt  }
0x61: {  	_ =	shalt  }
0x62: {  	_ =	shalt  }
0x63: {  	_ =	shalt  }
0x64: {  	_ =	shalt  }
0x65: {  	_ =	shalt  }
0x66: {  	_ =	shalt  }
0x67: {  	_ =	shalt  }
0x68: {  	_ =	shalt  }
0x69: {  	_ =	shalt  }
0x6a: {  	_ =	shalt  }
0x6b: {  	_ =	shalt  }
0x6c: {  	_ =	shalt  }
0x6d: {  	_ =	shalt  }
0x6e: {  	_ =	shalt  }
0x6f: {  	_ =	shalt  }
0x70: {  	_ =	shalt  }
0x71: {  	_ =	shalt  }
0x72: {  	_ =	shalt  }
0x73: {  	_ =	shalt  }
0x74: {  	_ =	shalt  }
0x75: {  	_ =	shalt  }
0x76: {  	_ =	shalt  }
0x77: {  	_ =	shalt  }
0x78: {  	_ =	shalt  }
0x79: {  	_ =	shalt  }
0x7a: {  	_ =	shalt  }
0x7b: {  	_ =	shalt  }
0x7c: {  	_ =	shalt  }
0x7d: {  	_ =	shalt  }
0x7e: {  	_ =	shalt  }
0x7f: {  	_ =	shalt  }
0x80: {  	_ =	shalt  }
0x81: {  	_ =	shalt  }
0x82: {  	_ =	shalt  }
0x83: {  	_ =	shalt  }
0x84: {  	_ =	shalt  }
0x85: {  	_ =	shalt  }
0x86: {  	_ =	shalt  }
0x87: {  	_ =	shalt  }
.Lfunc_end0:
.L_simem_size_0:
called_computation_lowered:
.L_overlay_start_0:
0x88: {  	s2 =	sld [smem:$0x3FD9]  }
0x89: {  	s3 =	sld [smem:$0x3FFE];
	_ =	sdelay $0x1  }
0x8a: {  	s1 =	srdreg.scid  }
0x8b: {  	s0 =	sand.u32 $0x1, s1  }
0x8c: {  	s17 =	sshll.u32 s0, $0xA;
	s2 =	sadd.s32 s3, s2  }
0x8d: {  	s2 =	sadd.s32 s2, s17  }
0x8e: {  	[smem:$0x3FC6] =	sst s2  }
0x8f: {  	_ = 	snop  }
0x90: {  	s2 =	sld [smem:$0x3FD0];
	(tm) =	ssettm $0x1  }
0x91: {  	s18 =	sld [smem:$0x3FFB];
	_ =	sdelay $0x3  }
0x92: {  	_ =	strace s18  }
0x93: {  	s3 =	sld [smem:$0x3FFC];
	_ =	sdelay $0x3  }
0x94: {  	_ =	strace s3  }
0x95: {  	s3 =	sld [smem:$0x3FFD];
	_ =	sdelay $0x3  }
0x96: {  	_ =	strace s3  }
0x97: {  	_ =	strace $0x8FFFFFFF  }
0x98: {  	s19 =	sld [smem:$0x3FDB];
	_ =	sdelay $0x1  }
0x99: {  	s4 =	simm.s32 $_scs_section_size  }
0x9a: {  	s5 =	simm.s32 $_size__tile_overlayer_lowered;
	s6 =	simm.s32 $_tile_overlayer_lowered  }
0x9b: {  	s22 =	simm.s32 $0x1BFF;
	s21 =	sshll.u32 s6, $0x1;
	s3 =	sadd.s32 s4, s19  }
0x9c: {  	s7 =	simm.s32 $0x0;
	s20 =	sshll.u32 s5, $0x1;
	s5 =	sadd.s32 s21, s3  }
0x9d: {  	[timem:s7], [sflag:s22] =	dma.local [hbm:s5], s20  }
0x9e: {  	_ =	swait.ge [sflag:s22], s20  }
0x9f: {  	s4 =	ssub.s32 $0x0, s20;
	[sflag:s22] =	ssyncset.done $0x0  }
0xa0: {  	[sflag:s22] =	ssyncadd.s32 s4;
	_ =	sdelay $0x1  }
0xa1: {  	s23 =	simm.s32 $0x1B8B  }
0xa2: {  	_ =	swait.ge [sflag:s23], $0x1  }
0xa3: {  	[sflag:s23] =	ssyncset.done $0x0  }
0xa4: {  	s25 =	simm.s32 $0x1B8E;
	s24 =	sld [smem:$0x3FFE];
	[sflag:s23] =	ssyncadd.s32 $0xFFFFFFFF  }
0xa5: {  	s26 =	simm.s32 $execute0_lowered;
	[smem:$0x3FD2] =	sst s25  }
0xa6: {  	s5 =	sshll.u32 s26, $0x1;
	_ =	strace $0x80000046;
	[dreg:$0x1] =	wrdreg $0xFFFFFFFF  }
0xa7: {  	s28 =	simm.s32 $_size_execute0_lowered;
	s3 =	sadd.s32 s3, s5;
	[dreg:$0x0] =	wrdreg $0x0  }
0xa8: {  	s5 =	sshll.u32 s28, $0x1;
	[dreg:$0x2] =	wrdreg s3  }
0xa9: {  	[dreg:$0x3] =	wrdreg s5  }
0xaa: {  	[dreg:$0x4] =	wrdreg $0xC0  }
0xab: {  	_ =	task [dreg:s7], $0x5FFFF  }
0xac: {  	[dreg:$0x1] =	wrdreg $0xFFFFFFFF  }
0xad: {  	[dreg:$0x0] =	wrdreg $0x60  }
0xae: {  	[dreg:$0x2] =	wrdreg s24  }
0xaf: {  	[dreg:$0x3] =	wrdreg s2  }
0xb0: {  	[dreg:$0x4] =	wrdreg $0x9  }
0xb1: {  	_ =	task.clear_ibuf [dreg:s7], $0x5FFFF;
	_ =	strace $0x90000046  }
0xb2: {  	s29 =	simm.s32 $0x9;
	_ =	strace $0x80000048  }
0xb3: {  	_ =	swait.ge [sflag:s29], $0x1  }
0xb4: {  	[sflag:s29] =	ssyncadd.s32 $0xFFFFFFFF  }
0xb5: {  	_ =	strace $0x90000048  }
0xb6: {  	_ =	sfence  }
0xb7: {  	s30 =	sld [smem:$0x0];
	_ =	sdelay $0x2  }
0xb8: {  	s31 =	sshll.u32 s1, $0xD;
	s1 =	sshrl.u32 s1, $0x2  }
0xb9: {  	s3 =	sand.u32 $0x4000, s31;
	s1 =	sadd.s32 s1, s30  }
0xba: {  	s0 =	sor.u32 s3, s0;
	s1 =	sshll.u32 s1, $0x11  }
0xbb: {  	s0 =	sor.u32 s1, s0  }
0xbc: {  	s0 =	sadd.s32 $0x8F2B, s0  }
0xbd: {  	[sflag:s0] =	ssyncadd.remote.s32 $0x1  }
0xbe: {  	_ =	sfence.sel $0xFFFF  }
0xbf: {  	[dreg:$0x0] =	wrdreg $0xFFFFFFFF;
	(pc) =	sbr.abs _section_cstart, $3  }
0xc0: {  	[dreg:$0x1] =	wrdreg $0xFFFFFFFF  }
0xc1: {  	_ =	task.clear_ibuf [dreg:s7], $0x2FFFF;
	_ =	strace $0x9FFFFFFF  }
0xc2: {  	(tm) =	ssettm $0x7FFFFFFF  }
0xc3: {  	_ =	shalt  }
tec
execute0_lowered:
.L_overlay_start_1:
0x0: {  	(tag) =	ssettag $0x1  }
0x1: {  	s4 =	rddreg [dreg:$0x0]  }
0x2: {  	s6 =	rddreg [dreg:$0x1]  }
0x3: {  	s0 =	rddreg [dreg:$0x2]  }
0x4: {  	s2 =	simm.s32 $0x0;
	s3 =	srdreg.scid;
	s1 =	stileid.u32  }
0x5: {  	s14 =	simm.s32 $0x100;
	s15 =	simm.s32 $0x180;
	s16 =	simm.s32 $0x2180  }
0x6: {  	s17 =	simm.s32 $0x4180;
	s18 =	simm.s32 $0x1;
	s19 =	simm.s32 $0x2  }
0x7: {  	[smem:$0x7FF] =	sst s2;
	s5 =	sand.u32 $0x1, s3;
	s30 =	sshll.u32 s1, $0x1  }
0x8: {  	s3 =	sadd.s32 $0xA00, s4;
	s12 =	sadd.s32 $0x2E00, s4;
	p0 =	sgt.u32 s1, $0x1  }
0x9: {  	p1 =	slt.u32 s1, $0x4;
	s7 =	sor.u32 s5, s30;
	s5 =	ssub.s32 $0x2, s5  }
0xa: {  	_ =	strace $0x80000047;
	s8 =	sshll.u32 s7, $0x4;
	s10 =	sshrl.u32 s5, $0x1  }
0xb: {  	s11 =	sshll.u32 s7, $0x7;
	s7 =	sshll.u32 s7, $0xA;
	s9 =	sadd.s32 s8, s4  }
.Ltmp0:
0xc: {  	s13 =	ssub.s32 s5, s10;
	s31 =	sadd.s32 $0xFFFFFE00, s11;
	(pc) =	sbr.rel .LBB2_1-.Ltmp0, $4  }
0xd: {  	s8 =	sadd.s32 s8, s12;
	s6 =	sadd.s32 s6, s7;
	s4 =	sadd.s32 $0x2A00, s9  }
0xe: {  	s5 =	sshrl.u32 s31, $0x3;
	s7 =	sadd.s32 $0x2C00, s9;
	s8 =	sadd.s32 $0x1C0, s8  }
0xf: {  	s9 =	sadd.s32 $0x8000, s6;
	s10 =	sadd.s32 $0x10000, s6;
	s11 =	smax.u32 s13, $0x1  }
0x10: {  	s13 =	simm.s32 $0x80;
	s5 =	sadd.s32 s12, s5;
	s12 =	simm.s32 $0x4  }
.LBB2_5:
0x11: {  	[tilespmem:s15], [sflag:$0x1] =	stream.indirect.gather [hbm4b:s3+s13], $0x40, s2, s13, $0xb8;
	[tilespmem:$0x6180] =	vst v63  }
0x12: {  	p2 =	por $0x0, $0x0  }
0x13: {  	[tilespmem:s16], [sflag:$0x2] =	stream.indirect.gather [hbm4b:s3+s13], $0x40, s13, s13, $0xb8;
	[tilespmem:$0x6180] =	vst v63  }
.LBB2_6:
0x14: {  	_ =	swait.ge [sflag:s18], $0x2000  }
0x15: {  	[sflag:s18] =	ssyncset.done $0x0  }
0x16: {  	[sflag:s18] =	ssyncadd.s32 $0xFFFFE000  }
0x17: {  	[hbm4b:s6+s2] =	stream.linear.scatter [tilespmem:s15], [sflag:$0x4], $0x2000, $0x38;
	[tilespmem:$0x6180] =	vst v63  }
0x18: {  	_ =	swait.ge [sflag:s12], $0x2000  }
0x19: {  	[sflag:s12] =	ssyncset.done $0x0  }
0x1a: {  	[sflag:s12] =	ssyncadd.s32 $0xFFFFE000  }
0x1b: {  	_ =	swait.ge [sflag:s19], $0x2000  }
0x1c: {  	[sflag:s19] =	ssyncset.done $0x0  }
0x1d: {  	[sflag:s19] =	ssyncadd.s32 $0xFFFFE000  }
0x1e: {  	[hbm4b:s9+s2] =	stream.linear.scatter [tilespmem:s16], [sflag:$0x4], $0x2000, $0x38;
	[tilespmem:$0x6180] =	vst v63  }
0x1f: {  	_ =	swait.ge [sflag:s12], $0x2000  }
0x20: {  	[sflag:s12] =	ssyncset.done $0x0  }
0x21: {  	s20 =	simm.s32 @p2 $0x3;
	[sflag:s12] =	ssyncadd.s32 $0xFFFFE000  }
0x22: {  	_ =	swait.ge @p2 [sflag:s20], $0x2000  }
0x23: {  	s21 =	simm.s32 @p2 $0x4180;
	s11 =	sadd.s32 $0xFFFFFFFF, s11;
	[sflag:s20] =	ssyncset.done @p2 $0x0  }
0x24: {  	p3 =	sne.s32 s11, $0x0;
	[sflag:s20] =	ssyncadd.s32 @p2 $0xFFFFE000;
	s20 =	simm.s32 @p2 $0x0  }
0x25: {  	[hbm4b:s10+s20] =	stream.linear.scatter @p2 [tilespmem:s21], [sflag:$0x4], $0x2000, $0x38;
	[tilespmem:$0x6180] =	vst v63  }
.Ltmp1:
0x26: {  	_ = 	snop;
	(pc) =	sbr.rel @!p3 .LBB2_7-.Ltmp1, $4  }
0x27: {  	s20 =	simm.s32 @p2 $0x4  }
0x28: {  	_ =	swait.ge @p2 [sflag:s20], $0x2000  }
0x29: {  	[sflag:s20] =	ssyncset.done @p2 $0x0  }
0x2a: {  	[sflag:s20] =	ssyncadd.s32 @p2 $0xFFFFE000  }
.LBB2_1:
.Ltmp2:
0x2b: {  	(pc) =	sbr.rel @p0 .LBB2_4-.Ltmp2, $4  }
0x2c: {  	[tilespmem:s2], [sflag:$0x4] =	stream.linear.gather [hbm4b:s4+s2], $0x80, $0x38;
	[tilespmem:$0x6180] =	vst v63  }
0x2d: {  	_ =	swait.ge [sflag:s12], $0x80  }
0x2e: {  	[sflag:s12] =	ssyncset.done $0x0  }
0x2f: {  	[sflag:s12] =	ssyncadd.s32 $0xFFFFFF80  }
.Ltmp3:
0x30: {  	(pc) =	sbr.rel .LBB2_3-.Ltmp3, $4  }
0x31: {  	[tilespmem:s13], [sflag:$0x4] =	stream.linear.gather [hbm4b:s7+s2], $0x80, $0x38;
	[tilespmem:$0x6180] =	vst v63  }
0x32: {  	_ =	swait.ge [sflag:s12], $0x80  }
0x33: {  	[sflag:s12] =	ssyncset.done $0x0  }
0x34: {  	[sflag:s12] =	ssyncadd.s32 $0xFFFFFF80  }
.LBB2_4:
.Ltmp4:
0x35: {  	(pc) =	sbr.rel @!p1 .LBB2_5-.Ltmp4, $4  }
0x36: {  	[tilespmem:s13], [sflag:$0x4] =	stream.linear.gather [hbm4b:s5+s2], $0x80, $0x38;
	[tilespmem:$0x6180] =	vst v63  }
0x37: {  	_ =	swait.ge [sflag:s12], $0x80  }
0x38: {  	[sflag:s12] =	ssyncset.done $0x0  }
0x39: {  	[sflag:s12] =	ssyncadd.s32 $0xFFFFFF80  }
.LBB2_3:
0x3a: {  	[tilespmem:s14], [sflag:$0x4] =	stream.linear.gather [hbm4b:s8+s2], $0x80, $0x38;
	[tilespmem:$0x6180] =	vst v63  }
0x3b: {  	_ =	swait.ge [sflag:s12], $0x80  }
0x3c: {  	[sflag:s12] =	ssyncset.done $0x0  }
0x3d: {  	[sflag:s12] =	ssyncadd.s32 $0xFFFFFF80  }
0x3e: {  	[tilespmem:s15], [sflag:$0x1] =	stream.indirect.gather [hbm4b:s3+s13], $0x40, s2, s13, $0xb8;
	[tilespmem:$0x6180] =	vst v63  }
.Ltmp5:
0x3f: {  	_ = 	snop;
	(pc) =	sbr.rel .LBB2_6-.Ltmp5, $4  }
0x40: {  	_ = 	snop  }
0x41: {  	[tilespmem:s16], [sflag:$0x2] =	stream.indirect.gather [hbm4b:s3+s13], $0x40, s13, s13, $0xb8;
	[tilespmem:$0x6180] =	vst v63  }
0x42: {  	p2 =	por $0x1, $0x1  }
0x43: {  	[tilespmem:s17], [sflag:$0x3] =	stream.indirect.gather [hbm4b:s3+s13], $0x40, s14, s13, $0xb8;
	[tilespmem:$0x6180] =	vst v63  }
.LBB2_7:
0x44: {  	_ =	sfence.sel $0x180000  }
0x45: {  	[bflag:$0x0] =	sbarrier.arrive $0xFFFF  }
0x46: {  	p0 =	sne.s32 s1, $0x0;
	_ =	strace $0x90000047  }
0x47: {  	s0 =	sadd.s32 @!p0 $0x100000, s0;
	[bflag:$0x2] =	sbarrier.arrive $0xFFFF  }
0x48: {  	[sflag:s0] =	ssyncadd.tile.s32 @!p0 $0x1;
	_ =	shalt  }
.Lfunc_end2:
_tile_overlayer_lowered:
.L_overlay_start_2:
0x49: {  	(tag) =	ssettag $0x2  }
0x4a: {  	s0 =	rddreg [dreg:$0x0];
	s2 =	stileid.u32  }
0x4b: {  	s1 =	rddreg [dreg:$0x1];
	p0 =	sne.s32 s2, $0x0  }
0x4c: {  	s3 =	rddreg [dreg:$0x2];
	[bflag:$0x3] =	sbarrier.arrive $0xFFFF;
	s2 =	simm.s32 @!p0 $0x1C04  }
0x4d: {  	[timem:s3], [sflag:s2] =	dma.local @!p0 [hbm:s0], s1  }
0x4e: {  	s0 =	simm.s32 @!p0 $0x4  }
0x4f: {  	_ =	swait.ge @!p0 [sflag:s0], s1  }
0x50: {  	s1 =	ssub.s32 @!p0 $0x0, s1;
	[sflag:s0] =	ssyncset.done @!p0 $0x0  }
0x51: {  	[sflag:s0] =	ssyncadd.s32 @!p0 s1  }
0x52: {  	[bflag:$0x3] =	sbarrier.arrive $0xFFFF  }
0x53: {  	_ =	shalt  }

</sc_bundles>
